<compile_context>
chip_gen: v7x
topology: tpu7x:2x2x1
jax: 0.10.2.dev20260603
libtpu: 0.0.44.dev20260713+nightly
codegen_flags: <defaults>
</compile_context>

<pallas_src>
import functools

import jax
import jax.numpy as jnp
from jax import lax
from jax.experimental import pallas as pl
from jax.experimental.pallas import tpu as pltpu
from jax.experimental.pallas import tpu_sc as plsc

NUM_CORES = 2
NUM_SUBCORES = 16
NUM_WORKERS = NUM_CORES * NUM_SUBCORES

N_NODES = 10000

CHUNK = 80
NBUF = 3


def _sc_partial_sums(messages, dst_rows, zeros_block, num_nodes):
    num_edges, feat = messages.shape
    edges_per_worker = num_edges // NUM_WORKERS
    chunks_per_worker = edges_per_worker // CHUNK
    io_tiles = 10
    rows_per_tile = num_nodes // io_tiles
    mesh = plsc.VectorSubcoreMesh(core_axis_name="c", subcore_axis_name="s")

    @functools.partial(
        pl.kernel,
        out_type=jax.ShapeDtypeStruct((NUM_CORES, num_nodes, feat), jnp.float32),
        mesh=mesh,
        scratch_types=[
            pltpu.VMEM((chunks_per_worker, CHUNK), jnp.int32),
            [pltpu.VMEM((CHUNK, feat), jnp.float32) for _ in range(NBUF)],
            pltpu.VMEM_SHARED((num_nodes, feat), jnp.float32),
            [pltpu.SemaphoreType.DMA for _ in range(NBUF)],
            pltpu.SemaphoreType.DMA,
            pltpu.SemaphoreType.DMA,
        ],
    )
    def k(msg_hbm, dst_hbm, zero_hbm, out_hbm, idx_v, bufs, acc_sp, sems,
          sem_z, sem_i):
        cid = lax.axis_index("c")
        sid = lax.axis_index("s")
        wid = cid * NUM_SUBCORES + sid
        base_edge = wid * edges_per_worker

        def gather(chunk_i, b):
            pltpu.async_copy(
                msg_hbm.at[pl.ds(base_edge + chunk_i * CHUNK, CHUNK)], bufs[b],
                sems[b])

        def wait(b):
            pltpu.make_async_copy(msg_hbm.at[pl.ds(0, CHUNK)], bufs[b],
                                  sems[b]).wait()

        def scatter_add(b, chunk_i):
            pltpu.sync_copy(bufs[b], acc_sp.at[idx_v.at[chunk_i]], add=True)

        for b in range(NBUF - 1):
            gather(b, b)

        zero_slice = acc_sp.at[pl.ds(sid * rows_per_tile, rows_per_tile)]

        @pl.when(sid < io_tiles)
        def _():
            pltpu.async_copy(zero_hbm, zero_slice, sem_z)

        pltpu.async_copy(dst_hbm.at[1, wid], idx_v, sem_i)
        pltpu.make_async_copy(dst_hbm.at[1, wid], idx_v, sem_i).wait()

        @pl.when(sid < io_tiles)
        def _():
            pltpu.make_async_copy(zero_hbm, zero_slice, sem_z).wait()

        plsc.subcore_barrier()

        main_iters = (chunks_per_worker - (NBUF - 1)) // NBUF
        assert main_iters * NBUF + (NBUF - 1) == chunks_per_worker

        def body(j, _):
            c = NBUF * j
            gather(c + NBUF - 1, NBUF - 1)
            for b in range(NBUF - 1):
                wait(b)
                scatter_add(b, c + b)
                gather(c + NBUF + b, b)
            wait(NBUF - 1)
            scatter_add(NBUF - 1, c + NBUF - 1)
            return 0

        lax.fori_loop(0, main_iters, body, 0)

        for b in range(NBUF - 1):
            wait(b)
            scatter_add(b, main_iters * NBUF + b)

        plsc.subcore_barrier()

        @pl.when(sid < io_tiles)
        def _():
            row0 = sid * rows_per_tile
            pltpu.sync_copy(acc_sp.at[pl.ds(row0, rows_per_tile)],
                            out_hbm.at[cid, pl.ds(row0, rows_per_tile)])

    return k(messages, dst_rows, zeros_block)


def _combine_partials(partials, num_nodes):
    feat = partials.shape[-1]
    blk = num_nodes // 10

    def body(p_ref, o_ref):
        o_ref[...] = p_ref[0] + p_ref[1]

    return pl.pallas_call(
        body,
        grid=(10,),
        in_specs=[pl.BlockSpec((NUM_CORES, blk, feat), lambda i: (0, i, 0))],
        out_specs=pl.BlockSpec((blk, feat), lambda i: (i, 0)),
        out_shape=jax.ShapeDtypeStruct((num_nodes, feat), jnp.float32),
    )(partials)


def kernel(messages, edge_index, num_nodes):
    num_edges, feat = messages.shape
    chunks_per_worker = num_edges // (NUM_WORKERS * CHUNK)
    dst = edge_index.astype(jnp.int32).reshape(
        2, NUM_WORKERS, chunks_per_worker, CHUNK)
    zeros_block = jnp.zeros((1000, feat), jnp.float32)
    partials = _sc_partial_sums(messages, dst, zeros_block, N_NODES)
    return _combine_partials(partials, N_NODES)

# --- scband reference (transcript-rebuilt; emitter-appended) ---
"""Pipeline reference for scband-sageprimitive-reduce-sum-41807211659458 (READ-ONLY COPY).

The authoritative reference and input builder live on the scoring server;
editing this copy changes nothing except your own understanding.
"""

import jax, jax.numpy as jnp
import numpy as np

NUM_NODES = 10000
NUM_EDGES = 320000
FEAT_DIM = 128


def setup_inputs(seed: int = 0) -> dict:
    key = jax.random.key(seed)
    k1, k2 = jax.random.split(key)
    messages = jax.random.normal(k1, (NUM_EDGES, FEAT_DIM), dtype=jnp.float32)
    edge_index = jax.random.randint(k2, (2, NUM_EDGES), 0, NUM_NODES, dtype=jnp.int64)
    return {"messages": messages, "edge_index": edge_index, "num_nodes": NUM_NODES}


def reference(messages, edge_index, num_nodes):
    # SAGE REDUCE_SUM: scatter-add messages into destination nodes (edge_index[1]).
    dst = edge_index[1] % num_nodes
    out = jnp.zeros((NUM_NODES, messages.shape[1]), dtype=messages.dtype)
    out = out.at[dst].add(messages)
    return out

if __name__ == "__main__":
    import jax
    _d = setup_inputs()
    print(jax.jit(kernel)(*tuple(_d.values())))

</pallas_src>

<mosaic_0001>
#map = affine_map<(d0, d1) -> (0, 0)>
#map1 = affine_map<(d0, d1) -> (0, 0, 0, 0)>
#map2 = affine_map<(d0, d1) -> (0, 0, 0)>
module attributes {stable_mosaic.version = 14 : i64} {
  func.func @k(%arg0: i32, %arg1: i32, %arg2: memref<320000x128xf32, #tpu.memory_space<hbm>>, %arg3: memref<2x32x125x80xi32, #tpu.memory_space<hbm>>, %arg4: memref<1000x128xf32, #tpu.memory_space<hbm>>, %arg5: memref<2x10000x128xf32, #tpu.memory_space<hbm>>, %arg6: memref<125x80xi32, #tpu.memory_space<vmem>>, %arg7: memref<80x128xf32, #tpu.memory_space<vmem>>, %arg8: memref<80x128xf32, #tpu.memory_space<vmem>>, %arg9: memref<80x128xf32, #tpu.memory_space<vmem>>, %arg10: memref<10000x128xf32, #tpu.memory_space<vmem_shared>>, %arg11: memref<!tpu.dma_semaphore, #tpu.memory_space<semaphore_mem>>, %arg12: memref<!tpu.dma_semaphore, #tpu.memory_space<semaphore_mem>>, %arg13: memref<!tpu.dma_semaphore, #tpu.memory_space<semaphore_mem>>, %arg14: memref<!tpu.dma_semaphore, #tpu.memory_space<semaphore_mem>>, %arg15: memref<!tpu.dma_semaphore, #tpu.memory_space<semaphore_mem>>) attributes {dimension_semantics = [#tpu.dimension_semantics<core_parallel>, #tpu.dimension_semantics<subcore_parallel>], iteration_bounds = array<i64: 2, 16>, scalar_prefetch = 0 : i64, scratch_operands = 10 : i64, tpu.core_type = #tpu.core_type<sc_vector_subcore>, window_params = [{transform_indices = #map}, {transform_indices = #map1}, {transform_indices = #map}, {transform_indices = #map2}]} {
    %mul3A = arith.constant 16 : i32
    %mul3A_0 = arith.muli %arg0, %mul3A : i32
    %add3A = arith.addi %mul3A_0, %arg1 : i32
    %mul3A_1 = arith.constant 10000 : i32
    %mul3A_2 = arith.muli %add3A, %mul3A_1 : i32
    %add3A_3 = arith.constant 0 : i32
    %add3A_4 = arith.addi %mul3A_2, %add3A_3 : i32
    %dma_start3A = arith.constant 0 : i32
    %dma_start3A_5 = tpu.memref_slice %arg2[%add3A_4, %dma_start3A] : memref<320000x128xf32, #tpu.memory_space<hbm>> -> memref<80x128xf32, #tpu.memory_space<hbm>>
    %dma_start3A_6 = arith.constant 0 : i32
    %dma_start3A_7 = tpu.memref_slice %arg2[%add3A_4, %dma_start3A_6] : memref<320000x128xf32, #tpu.memory_space<hbm>> -> memref<80x128xf32, #tpu.memory_space<hbm>>
    tpu.enqueue_dma source(%dma_start3A_7 : memref<80x128xf32, #tpu.memory_space<hbm>>) target(%arg7 : memref<80x128xf32, #tpu.memory_space<vmem>>) target_semaphore(%arg11 : memref<!tpu.dma_semaphore, #tpu.memory_space<semaphore_mem>>)
    %add3A_8 = arith.constant 80 : i32
    %add3A_9 = arith.addi %mul3A_2, %add3A_8 : i32
    %dma_start3A_10 = arith.constant 0 : i32
    %dma_start3A_11 = tpu.memref_slice %arg2[%add3A_9, %dma_start3A_10] : memref<320000x128xf32, #tpu.memory_space<hbm>> -> memref<80x128xf32, #tpu.memory_space<hbm>>
    %dma_start3A_12 = arith.constant 0 : i32
    %dma_start3A_13 = tpu.memref_slice %arg2[%add3A_9, %dma_start3A_12] : memref<320000x128xf32, #tpu.memory_space<hbm>> -> memref<80x128xf32, #tpu.memory_space<hbm>>
    tpu.enqueue_dma source(%dma_start3A_13 : memref<80x128xf32, #tpu.memory_space<hbm>>) target(%arg8 : memref<80x128xf32, #tpu.memory_space<vmem>>) target_semaphore(%arg12 : memref<!tpu.dma_semaphore, #tpu.memory_space<semaphore_mem>>)
    %mul3A_14 = arith.constant 1000 : i32
    %mul3A_15 = arith.muli %arg1, %mul3A_14 : i32
    %lt3A = arith.constant 10 : i32
    %lt3A_16 = arith.cmpi slt, %arg1, %lt3A : i32
    %convert_element_type3A = arith.extui %lt3A_16 : i1 to i32
    %cond3A = arith.constant 0 : i32
    %cond3A_17 = arith.cmpi ne, %convert_element_type3A, %cond3A : i32
    scf.if %cond3A_17 {
      %dma_start3A_65 = arith.constant 0 : i32
      %dma_start3A_66 = tpu.memref_slice %arg10[%mul3A_15, %dma_start3A_65] : memref<10000x128xf32, #tpu.memory_space<vmem_shared>> -> memref<1000x128xf32, #tpu.memory_space<vmem_shared>>
      tpu.enqueue_dma source(%arg4 : memref<1000x128xf32, #tpu.memory_space<hbm>>) target(%dma_start3A_66 : memref<1000x128xf32, #tpu.memory_space<vmem_shared>>) target_semaphore(%arg14 : memref<!tpu.dma_semaphore, #tpu.memory_space<semaphore_mem>>)
    } else {
    }
    %dma_start3A_18 = arith.constant 1 : i32
    %dma_start3A_19 = arith.constant 0 : i32
    %dma_start3A_20 = arith.constant 0 : i32
    %dma_start3A_21 = tpu.memref_slice %arg3[%dma_start3A_18, %add3A, %dma_start3A_19, %dma_start3A_20] : memref<2x32x125x80xi32, #tpu.memory_space<hbm>> -> memref<1x1x125x80xi32, #tpu.memory_space<hbm>>
    %dma_start3A_22 = tpu.memref_squeeze %dma_start3A_21 : memref<1x1x125x80xi32, #tpu.memory_space<hbm>> -> memref<125x80xi32, #tpu.memory_space<hbm>>
    %dma_start3A_23 = arith.constant 0 : i32
    %dma_start3A_24 = arith.constant 0 : i32
    %dma_start3A_25 = tpu.memref_slice %arg3[%dma_start3A_18, %add3A, %dma_start3A_23, %dma_start3A_24] : memref<2x32x125x80xi32, #tpu.memory_space<hbm>> -> memref<1x1x125x80xi32, #tpu.memory_space<hbm>>
    %dma_start3A_26 = tpu.memref_squeeze %dma_start3A_25 : memref<1x1x125x80xi32, #tpu.memory_space<hbm>> -> memref<125x80xi32, #tpu.memory_space<hbm>>
    tpu.enqueue_dma source(%dma_start3A_26 : memref<125x80xi32, #tpu.memory_space<hbm>>) target(%arg6 : memref<125x80xi32, #tpu.memory_space<vmem>>) target_semaphore(%arg15 : memref<!tpu.dma_semaphore, #tpu.memory_space<semaphore_mem>>)
    %dma_wait3A = arith.constant 1 : i32
    %dma_wait3A_27 = arith.constant 0 : i32
    %dma_wait3A_28 = arith.constant 0 : i32
    %dma_wait3A_29 = tpu.memref_slice %arg3[%dma_wait3A, %add3A, %dma_wait3A_27, %dma_wait3A_28] : memref<2x32x125x80xi32, #tpu.memory_space<hbm>> -> memref<1x1x125x80xi32, #tpu.memory_space<hbm>>
    %dma_wait3A_30 = tpu.memref_squeeze %dma_wait3A_29 : memref<1x1x125x80xi32, #tpu.memory_space<hbm>> -> memref<125x80xi32, #tpu.memory_space<hbm>>
    %dma_wait3A_31 = arith.constant 0 : i32
    %dma_wait3A_32 = arith.constant 0 : i32
    %dma_wait3A_33 = tpu.memref_slice %arg3[%dma_wait3A, %add3A, %dma_wait3A_31, %dma_wait3A_32] : memref<2x32x125x80xi32, #tpu.memory_space<hbm>> -> memref<1x1x125x80xi32, #tpu.memory_space<hbm>>
    %dma_wait3A_34 = tpu.memref_squeeze %dma_wait3A_33 : memref<1x1x125x80xi32, #tpu.memory_space<hbm>> -> memref<125x80xi32, #tpu.memory_space<hbm>>
    tpu.wait_dma2 semaphore(%arg15 : memref<!tpu.dma_semaphore, #tpu.memory_space<semaphore_mem>>) src(%dma_wait3A_34 : memref<125x80xi32, #tpu.memory_space<hbm>>) dst(%arg6 : memref<125x80xi32, #tpu.memory_space<vmem>>)
    %lt3A_35 = arith.constant 10 : i32
    %lt3A_36 = arith.cmpi slt, %arg1, %lt3A_35 : i32
    %convert_element_type3A_37 = arith.extui %lt3A_36 : i1 to i32
    %cond3A_38 = arith.constant 0 : i32
    %cond3A_39 = arith.cmpi ne, %convert_element_type3A_37, %cond3A_38 : i32
    scf.if %cond3A_39 {
      %dma_wait3A_65 = arith.constant 0 : i32
      %dma_wait3A_66 = tpu.memref_slice %arg10[%mul3A_15, %dma_wait3A_65] : memref<10000x128xf32, #tpu.memory_space<vmem_shared>> -> memref<1000x128xf32, #tpu.memory_space<vmem_shared>>
      tpu.wait_dma2 semaphore(%arg14 : memref<!tpu.dma_semaphore, #tpu.memory_space<semaphore_mem>>) src(%arg4 : memref<1000x128xf32, #tpu.memory_space<hbm>>) dst(%dma_wait3A_66 : memref<1000x128xf32, #tpu.memory_space<vmem_shared>>)
    } else {
    }
    %barrier3A = arith.constant 0 : index
    tpu.barrier barrier_id(%barrier3A)
    %scan3A = arith.constant 0 : i32
    %scan3A_40 = arith.constant 0 : i32
    %scan3A_41 = arith.constant 41 : i32
    %scan3A_42 = arith.addi %scan3A_40, %scan3A_41 : i32
    %scan3A_43 = arith.constant 1 : i32
    %scan3A_44 = scf.for %scan3A_65 = %scan3A_40 to %scan3A_42 step %scan3A_43 iter_args(%scan3A_66 = %scan3A) -> (i32)  : i32 {
      %mul3A_67 = arith.constant 3 : i32
      %mul3A_68 = arith.muli %mul3A_67, %scan3A_65 : i32
      %add3A_69 = arith.constant 3 : i32
      %add3A_70 = arith.addi %mul3A_68, %add3A_69 : i32
      %sub3A = arith.constant 1 : i32
      %sub3A_71 = arith.subi %add3A_70, %sub3A : i32
      %mul3A_72 = arith.constant 80 : i32
      %mul3A_73 = arith.muli %sub3A_71, %mul3A_72 : i32
      %add3A_74 = arith.addi %mul3A_2, %mul3A_73 : i32
      %dma_start3A_75 = arith.constant 0 : i32
      %dma_start3A_76 = tpu.memref_slice %arg2[%add3A_74, %dma_start3A_75] : memref<320000x128xf32, #tpu.memory_space<hbm>> -> memref<80x128xf32, #tpu.memory_space<hbm>>
      %dma_start3A_77 = arith.constant 0 : i32
      %dma_start3A_78 = tpu.memref_slice %arg2[%add3A_74, %dma_start3A_77] : memref<320000x128xf32, #tpu.memory_space<hbm>> -> memref<80x128xf32, #tpu.memory_space<hbm>>
      tpu.enqueue_dma source(%dma_start3A_78 : memref<80x128xf32, #tpu.memory_space<hbm>>) target(%arg9 : memref<80x128xf32, #tpu.memory_space<vmem>>) target_semaphore(%arg13 : memref<!tpu.dma_semaphore, #tpu.memory_space<semaphore_mem>>)
      %dma_wait3A_79 = arith.constant 0 : i32
      %dma_wait3A_80 = arith.constant 0 : i32
      %dma_wait3A_81 = tpu.memref_slice %arg2[%dma_wait3A_79, %dma_wait3A_80] : memref<320000x128xf32, #tpu.memory_space<hbm>> -> memref<80x128xf32, #tpu.memory_space<hbm>>
      %dma_wait3A_82 = arith.constant 0 : i32
      %dma_wait3A_83 = arith.constant 0 : i32
      %dma_wait3A_84 = tpu.memref_slice %arg2[%dma_wait3A_82, %dma_wait3A_83] : memref<320000x128xf32, #tpu.memory_space<hbm>> -> memref<80x128xf32, #tpu.memory_space<hbm>>
      tpu.wait_dma2 semaphore(%arg11 : memref<!tpu.dma_semaphore, #tpu.memory_space<semaphore_mem>>) src(%dma_wait3A_84 : memref<80x128xf32, #tpu.memory_space<hbm>>) dst(%arg7 : memref<80x128xf32, #tpu.memory_space<vmem>>)
      %add3A_85 = arith.constant 0 : i32
      %add3A_86 = arith.addi %mul3A_68, %add3A_85 : i32
      "tpu.region"() ({
        %run_scoped3A_128 = tpu.sem_alloc : memref<!tpu.dma_semaphore, #tpu.memory_space<semaphore_mem>>
        %dma_start3A_129 = arith.constant 0 : i32
        %dma_start3A_130 = tpu.memref_slice %arg6[%add3A_86, %dma_start3A_129] : memref<125x80xi32, #tpu.memory_space<vmem>> -> memref<1x80xi32, #tpu.memory_space<vmem>>
        %dma_start3A_131 = tpu.memref_squeeze %dma_start3A_130 : memref<1x80xi32, #tpu.memory_space<vmem>> -> memref<80xi32, #tpu.memory_space<vmem>>
        %dma_start3A_132 = arith.constant 0 : i32
        %dma_start3A_133 = arith.constant 0 : i32
        %dma_start3A_134 = tpu.memref_slice %arg10[%dma_start3A_132, %dma_start3A_133] : memref<10000x128xf32, #tpu.memory_space<vmem_shared>> -> memref<10000x128xf32, #tpu.memory_space<vmem_shared>>
        tpu.enqueue_indirect_dma source(%arg7 : memref<80x128xf32, #tpu.memory_space<vmem>>) target(%dma_start3A_134 : memref<10000x128xf32, #tpu.memory_space<vmem_shared>>) offsets(%dma_start3A_131 : memref<80xi32, #tpu.memory_space<vmem>>) semaphore(%run_scoped3A_128 : memref<!tpu.dma_semaphore, #tpu.memory_space<semaphore_mem>>) {add = true}
        %dma_wait3A_135 = arith.constant 0 : i32
        %dma_wait3A_136 = tpu.memref_slice %arg6[%add3A_86, %dma_wait3A_135] : memref<125x80xi32, #tpu.memory_space<vmem>> -> memref<1x80xi32, #tpu.memory_space<vmem>>
        %dma_wait3A_137 = tpu.memref_squeeze %dma_wait3A_136 : memref<1x80xi32, #tpu.memory_space<vmem>> -> memref<80xi32, #tpu.memory_space<vmem>>
        %dma_wait3A_138 = arith.constant 0 : i32
        %dma_wait3A_139 = arith.constant 0 : i32
        %dma_wait3A_140 = tpu.memref_slice %arg10[%dma_wait3A_138, %dma_wait3A_139] : memref<10000x128xf32, #tpu.memory_space<vmem_shared>> -> memref<10000x128xf32, #tpu.memory_space<vmem_shared>>
        tpu.wait_indirect_dma semaphore(%run_scoped3A_128 : memref<!tpu.dma_semaphore, #tpu.memory_space<semaphore_mem>>) src(%arg7 : memref<80x128xf32, #tpu.memory_space<vmem>>) dst(%dma_wait3A_140 : memref<10000x128xf32, #tpu.memory_space<vmem_shared>>)
        tpu.yield
      }) : () -> ()
      %add3A_87 = arith.constant 3 : i32
      %add3A_88 = arith.addi %mul3A_68, %add3A_87 : i32
      %add3A_89 = arith.constant 0 : i32
      %add3A_90 = arith.addi %add3A_88, %add3A_89 : i32
      %mul3A_91 = arith.constant 80 : i32
      %mul3A_92 = arith.muli %add3A_90, %mul3A_91 : i32
      %add3A_93 = arith.addi %mul3A_2, %mul3A_92 : i32
      %dma_start3A_94 = arith.constant 0 : i32
      %dma_start3A_95 = tpu.memref_slice %arg2[%add3A_93, %dma_start3A_94] : memref<320000x128xf32, #tpu.memory_space<hbm>> -> memref<80x128xf32, #tpu.memory_space<hbm>>
      %dma_start3A_96 = arith.constant 0 : i32
      %dma_start3A_97 = tpu.memref_slice %arg2[%add3A_93, %dma_start3A_96] : memref<320000x128xf32, #tpu.memory_space<hbm>> -> memref<80x128xf32, #tpu.memory_space<hbm>>
      tpu.enqueue_dma source(%dma_start3A_97 : memref<80x128xf32, #tpu.memory_space<hbm>>) target(%arg7 : memref<80x128xf32, #tpu.memory_space<vmem>>) target_semaphore(%arg11 : memref<!tpu.dma_semaphore, #tpu.memory_space<semaphore_mem>>)
      %dma_wait3A_98 = arith.constant 0 : i32
      %dma_wait3A_99 = arith.constant 0 : i32
      %dma_wait3A_100 = tpu.memref_slice %arg2[%dma_wait3A_98, %dma_wait3A_99] : memref<320000x128xf32, #tpu.memory_space<hbm>> -> memref<80x128xf32, #tpu.memory_space<hbm>>
      %dma_wait3A_101 = arith.constant 0 : i32
      %dma_wait3A_102 = arith.constant 0 : i32
      %dma_wait3A_103 = tpu.memref_slice %arg2[%dma_wait3A_101, %dma_wait3A_102] : memref<320000x128xf32, #tpu.memory_space<hbm>> -> memref<80x128xf32, #tpu.memory_space<hbm>>
      tpu.wait_dma2 semaphore(%arg12 : memref<!tpu.dma_semaphore, #tpu.memory_space<semaphore_mem>>) src(%dma_wait3A_103 : memref<80x128xf32, #tpu.memory_space<hbm>>) dst(%arg8 : memref<80x128xf32, #tpu.memory_space<vmem>>)
      %add3A_104 = arith.constant 1 : i32
      %add3A_105 = arith.addi %mul3A_68, %add3A_104 : i32
      "tpu.region"() ({
        %run_scoped3A_128 = tpu.sem_alloc : memref<!tpu.dma_semaphore, #tpu.memory_space<semaphore_mem>>
        %dma_start3A_129 = arith.constant 0 : i32
        %dma_start3A_130 = tpu.memref_slice %arg6[%add3A_105, %dma_start3A_129] : memref<125x80xi32, #tpu.memory_space<vmem>> -> memref<1x80xi32, #tpu.memory_space<vmem>>
        %dma_start3A_131 = tpu.memref_squeeze %dma_start3A_130 : memref<1x80xi32, #tpu.memory_space<vmem>> -> memref<80xi32, #tpu.memory_space<vmem>>
        %dma_start3A_132 = arith.constant 0 : i32
        %dma_start3A_133 = arith.constant 0 : i32
        %dma_start3A_134 = tpu.memref_slice %arg10[%dma_start3A_132, %dma_start3A_133] : memref<10000x128xf32, #tpu.memory_space<vmem_shared>> -> memref<10000x128xf32, #tpu.memory_space<vmem_shared>>
        tpu.enqueue_indirect_dma source(%arg8 : memref<80x128xf32, #tpu.memory_space<vmem>>) target(%dma_start3A_134 : memref<10000x128xf32, #tpu.memory_space<vmem_shared>>) offsets(%dma_start3A_131 : memref<80xi32, #tpu.memory_space<vmem>>) semaphore(%run_scoped3A_128 : memref<!tpu.dma_semaphore, #tpu.memory_space<semaphore_mem>>) {add = true}
        %dma_wait3A_135 = arith.constant 0 : i32
        %dma_wait3A_136 = tpu.memref_slice %arg6[%add3A_105, %dma_wait3A_135] : memref<125x80xi32, #tpu.memory_space<vmem>> -> memref<1x80xi32, #tpu.memory_space<vmem>>
        %dma_wait3A_137 = tpu.memref_squeeze %dma_wait3A_136 : memref<1x80xi32, #tpu.memory_space<vmem>> -> memref<80xi32, #tpu.memory_space<vmem>>
        %dma_wait3A_138 = arith.constant 0 : i32
        %dma_wait3A_139 = arith.constant 0 : i32
        %dma_wait3A_140 = tpu.memref_slice %arg10[%dma_wait3A_138, %dma_wait3A_139] : memref<10000x128xf32, #tpu.memory_space<vmem_shared>> -> memref<10000x128xf32, #tpu.memory_space<vmem_shared>>
        tpu.wait_indirect_dma semaphore(%run_scoped3A_128 : memref<!tpu.dma_semaphore, #tpu.memory_space<semaphore_mem>>) src(%arg8 : memref<80x128xf32, #tpu.memory_space<vmem>>) dst(%dma_wait3A_140 : memref<10000x128xf32, #tpu.memory_space<vmem_shared>>)
        tpu.yield
      }) : () -> ()
      %add3A_106 = arith.constant 3 : i32
      %add3A_107 = arith.addi %mul3A_68, %add3A_106 : i32
      %add3A_108 = arith.constant 1 : i32
      %add3A_109 = arith.addi %add3A_107, %add3A_108 : i32
      %mul3A_110 = arith.constant 80 : i32
      %mul3A_111 = arith.muli %add3A_109, %mul3A_110 : i32
      %add3A_112 = arith.addi %mul3A_2, %mul3A_111 : i32
      %dma_start3A_113 = arith.constant 0 : i32
      %dma_start3A_114 = tpu.memref_slice %arg2[%add3A_112, %dma_start3A_113] : memref<320000x128xf32, #tpu.memory_space<hbm>> -> memref<80x128xf32, #tpu.memory_space<hbm>>
      %dma_start3A_115 = arith.constant 0 : i32
      %dma_start3A_116 = tpu.memref_slice %arg2[%add3A_112, %dma_start3A_115] : memref<320000x128xf32, #tpu.memory_space<hbm>> -> memref<80x128xf32, #tpu.memory_space<hbm>>
      tpu.enqueue_dma source(%dma_start3A_116 : memref<80x128xf32, #tpu.memory_space<hbm>>) target(%arg8 : memref<80x128xf32, #tpu.memory_space<vmem>>) target_semaphore(%arg12 : memref<!tpu.dma_semaphore, #tpu.memory_space<semaphore_mem>>)
      %dma_wait3A_117 = arith.constant 0 : i32
      %dma_wait3A_118 = arith.constant 0 : i32
      %dma_wait3A_119 = tpu.memref_slice %arg2[%dma_wait3A_117, %dma_wait3A_118] : memref<320000x128xf32, #tpu.memory_space<hbm>> -> memref<80x128xf32, #tpu.memory_space<hbm>>
      %dma_wait3A_120 = arith.constant 0 : i32
      %dma_wait3A_121 = arith.constant 0 : i32
      %dma_wait3A_122 = tpu.memref_slice %arg2[%dma_wait3A_120, %dma_wait3A_121] : memref<320000x128xf32, #tpu.memory_space<hbm>> -> memref<80x128xf32, #tpu.memory_space<hbm>>
      tpu.wait_dma2 semaphore(%arg13 : memref<!tpu.dma_semaphore, #tpu.memory_space<semaphore_mem>>) src(%dma_wait3A_122 : memref<80x128xf32, #tpu.memory_space<hbm>>) dst(%arg9 : memref<80x128xf32, #tpu.memory_space<vmem>>)
      %add3A_123 = arith.constant 3 : i32
      %add3A_124 = arith.addi %mul3A_68, %add3A_123 : i32
      %sub3A_125 = arith.constant 1 : i32
      %sub3A_126 = arith.subi %add3A_124, %sub3A_125 : i32
      "tpu.region"() ({
        %run_scoped3A_128 = tpu.sem_alloc : memref<!tpu.dma_semaphore, #tpu.memory_space<semaphore_mem>>
        %dma_start3A_129 = arith.constant 0 : i32
        %dma_start3A_130 = tpu.memref_slice %arg6[%sub3A_126, %dma_start3A_129] : memref<125x80xi32, #tpu.memory_space<vmem>> -> memref<1x80xi32, #tpu.memory_space<vmem>>
        %dma_start3A_131 = tpu.memref_squeeze %dma_start3A_130 : memref<1x80xi32, #tpu.memory_space<vmem>> -> memref<80xi32, #tpu.memory_space<vmem>>
        %dma_start3A_132 = arith.constant 0 : i32
        %dma_start3A_133 = arith.constant 0 : i32
        %dma_start3A_134 = tpu.memref_slice %arg10[%dma_start3A_132, %dma_start3A_133] : memref<10000x128xf32, #tpu.memory_space<vmem_shared>> -> memref<10000x128xf32, #tpu.memory_space<vmem_shared>>
        tpu.enqueue_indirect_dma source(%arg9 : memref<80x128xf32, #tpu.memory_space<vmem>>) target(%dma_start3A_134 : memref<10000x128xf32, #tpu.memory_space<vmem_shared>>) offsets(%dma_start3A_131 : memref<80xi32, #tpu.memory_space<vmem>>) semaphore(%run_scoped3A_128 : memref<!tpu.dma_semaphore, #tpu.memory_space<semaphore_mem>>) {add = true}
        %dma_wait3A_135 = arith.constant 0 : i32
        %dma_wait3A_136 = tpu.memref_slice %arg6[%sub3A_126, %dma_wait3A_135] : memref<125x80xi32, #tpu.memory_space<vmem>> -> memref<1x80xi32, #tpu.memory_space<vmem>>
        %dma_wait3A_137 = tpu.memref_squeeze %dma_wait3A_136 : memref<1x80xi32, #tpu.memory_space<vmem>> -> memref<80xi32, #tpu.memory_space<vmem>>
        %dma_wait3A_138 = arith.constant 0 : i32
        %dma_wait3A_139 = arith.constant 0 : i32
        %dma_wait3A_140 = tpu.memref_slice %arg10[%dma_wait3A_138, %dma_wait3A_139] : memref<10000x128xf32, #tpu.memory_space<vmem_shared>> -> memref<10000x128xf32, #tpu.memory_space<vmem_shared>>
        tpu.wait_indirect_dma semaphore(%run_scoped3A_128 : memref<!tpu.dma_semaphore, #tpu.memory_space<semaphore_mem>>) src(%arg9 : memref<80x128xf32, #tpu.memory_space<vmem>>) dst(%dma_wait3A_140 : memref<10000x128xf32, #tpu.memory_space<vmem_shared>>)
        tpu.yield
      }) : () -> ()
      %scan3A_127 = arith.constant 0 : i32
      scf.yield %scan3A_127 : i32
    }
    %scan3A_45 = arith.constant 41 : i32
    %dma_wait3A_46 = arith.constant 0 : i32
    %dma_wait3A_47 = arith.constant 0 : i32
    %dma_wait3A_48 = tpu.memref_slice %arg2[%dma_wait3A_46, %dma_wait3A_47] : memref<320000x128xf32, #tpu.memory_space<hbm>> -> memref<80x128xf32, #tpu.memory_space<hbm>>
    %dma_wait3A_49 = arith.constant 0 : i32
    %dma_wait3A_50 = arith.constant 0 : i32
    %dma_wait3A_51 = tpu.memref_slice %arg2[%dma_wait3A_49, %dma_wait3A_50] : memref<320000x128xf32, #tpu.memory_space<hbm>> -> memref<80x128xf32, #tpu.memory_space<hbm>>
    tpu.wait_dma2 semaphore(%arg11 : memref<!tpu.dma_semaphore, #tpu.memory_space<semaphore_mem>>) src(%dma_wait3A_51 : memref<80x128xf32, #tpu.memory_space<hbm>>) dst(%arg7 : memref<80x128xf32, #tpu.memory_space<vmem>>)
    %run_scoped3A = arith.constant 123 : i32
    "tpu.region"() ({
      %run_scoped3A_65 = tpu.sem_alloc : memref<!tpu.dma_semaphore, #tpu.memory_space<semaphore_mem>>
      %dma_start3A_66 = arith.constant 0 : i32
      %dma_start3A_67 = tpu.memref_slice %arg6[%run_scoped3A, %dma_start3A_66] : memref<125x80xi32, #tpu.memory_space<vmem>> -> memref<1x80xi32, #tpu.memory_space<vmem>>
      %dma_start3A_68 = tpu.memref_squeeze %dma_start3A_67 : memref<1x80xi32, #tpu.memory_space<vmem>> -> memref<80xi32, #tpu.memory_space<vmem>>
      %dma_start3A_69 = arith.constant 0 : i32
      %dma_start3A_70 = arith.constant 0 : i32
      %dma_start3A_71 = tpu.memref_slice %arg10[%dma_start3A_69, %dma_start3A_70] : memref<10000x128xf32, #tpu.memory_space<vmem_shared>> -> memref<10000x128xf32, #tpu.memory_space<vmem_shared>>
      tpu.enqueue_indirect_dma source(%arg7 : memref<80x128xf32, #tpu.memory_space<vmem>>) target(%dma_start3A_71 : memref<10000x128xf32, #tpu.memory_space<vmem_shared>>) offsets(%dma_start3A_68 : memref<80xi32, #tpu.memory_space<vmem>>) semaphore(%run_scoped3A_65 : memref<!tpu.dma_semaphore, #tpu.memory_space<semaphore_mem>>) {add = true}
      %dma_wait3A_72 = arith.constant 0 : i32
      %dma_wait3A_73 = tpu.memref_slice %arg6[%run_scoped3A, %dma_wait3A_72] : memref<125x80xi32, #tpu.memory_space<vmem>> -> memref<1x80xi32, #tpu.memory_space<vmem>>
      %dma_wait3A_74 = tpu.memref_squeeze %dma_wait3A_73 : memref<1x80xi32, #tpu.memory_space<vmem>> -> memref<80xi32, #tpu.memory_space<vmem>>
      %dma_wait3A_75 = arith.constant 0 : i32
      %dma_wait3A_76 = arith.constant 0 : i32
      %dma_wait3A_77 = tpu.memref_slice %arg10[%dma_wait3A_75, %dma_wait3A_76] : memref<10000x128xf32, #tpu.memory_space<vmem_shared>> -> memref<10000x128xf32, #tpu.memory_space<vmem_shared>>
      tpu.wait_indirect_dma semaphore(%run_scoped3A_65 : memref<!tpu.dma_semaphore, #tpu.memory_space<semaphore_mem>>) src(%arg7 : memref<80x128xf32, #tpu.memory_space<vmem>>) dst(%dma_wait3A_77 : memref<10000x128xf32, #tpu.memory_space<vmem_shared>>)
      tpu.yield
    }) : () -> ()
    %dma_wait3A_52 = arith.constant 0 : i32
    %dma_wait3A_53 = arith.constant 0 : i32
    %dma_wait3A_54 = tpu.memref_slice %arg2[%dma_wait3A_52, %dma_wait3A_53] : memref<320000x128xf32, #tpu.memory_space<hbm>> -> memref<80x128xf32, #tpu.memory_space<hbm>>
    %dma_wait3A_55 = arith.constant 0 : i32
    %dma_wait3A_56 = arith.constant 0 : i32
    %dma_wait3A_57 = tpu.memref_slice %arg2[%dma_wait3A_55, %dma_wait3A_56] : memref<320000x128xf32, #tpu.memory_space<hbm>> -> memref<80x128xf32, #tpu.memory_space<hbm>>
    tpu.wait_dma2 semaphore(%arg12 : memref<!tpu.dma_semaphore, #tpu.memory_space<semaphore_mem>>) src(%dma_wait3A_57 : memref<80x128xf32, #tpu.memory_space<hbm>>) dst(%arg8 : memref<80x128xf32, #tpu.memory_space<vmem>>)
    %run_scoped3A_58 = arith.constant 124 : i32
    "tpu.region"() ({
      %run_scoped3A_65 = tpu.sem_alloc : memref<!tpu.dma_semaphore, #tpu.memory_space<semaphore_mem>>
      %dma_start3A_66 = arith.constant 0 : i32
      %dma_start3A_67 = tpu.memref_slice %arg6[%run_scoped3A_58, %dma_start3A_66] : memref<125x80xi32, #tpu.memory_space<vmem>> -> memref<1x80xi32, #tpu.memory_space<vmem>>
      %dma_start3A_68 = tpu.memref_squeeze %dma_start3A_67 : memref<1x80xi32, #tpu.memory_space<vmem>> -> memref<80xi32, #tpu.memory_space<vmem>>
      %dma_start3A_69 = arith.constant 0 : i32
      %dma_start3A_70 = arith.constant 0 : i32
      %dma_start3A_71 = tpu.memref_slice %arg10[%dma_start3A_69, %dma_start3A_70] : memref<10000x128xf32, #tpu.memory_space<vmem_shared>> -> memref<10000x128xf32, #tpu.memory_space<vmem_shared>>
      tpu.enqueue_indirect_dma source(%arg8 : memref<80x128xf32, #tpu.memory_space<vmem>>) target(%dma_start3A_71 : memref<10000x128xf32, #tpu.memory_space<vmem_shared>>) offsets(%dma_start3A_68 : memref<80xi32, #tpu.memory_space<vmem>>) semaphore(%run_scoped3A_65 : memref<!tpu.dma_semaphore, #tpu.memory_space<semaphore_mem>>) {add = true}
      %dma_wait3A_72 = arith.constant 0 : i32
      %dma_wait3A_73 = tpu.memref_slice %arg6[%run_scoped3A_58, %dma_wait3A_72] : memref<125x80xi32, #tpu.memory_space<vmem>> -> memref<1x80xi32, #tpu.memory_space<vmem>>
      %dma_wait3A_74 = tpu.memref_squeeze %dma_wait3A_73 : memref<1x80xi32, #tpu.memory_space<vmem>> -> memref<80xi32, #tpu.memory_space<vmem>>
      %dma_wait3A_75 = arith.constant 0 : i32
      %dma_wait3A_76 = arith.constant 0 : i32
      %dma_wait3A_77 = tpu.memref_slice %arg10[%dma_wait3A_75, %dma_wait3A_76] : memref<10000x128xf32, #tpu.memory_space<vmem_shared>> -> memref<10000x128xf32, #tpu.memory_space<vmem_shared>>
      tpu.wait_indirect_dma semaphore(%run_scoped3A_65 : memref<!tpu.dma_semaphore, #tpu.memory_space<semaphore_mem>>) src(%arg8 : memref<80x128xf32, #tpu.memory_space<vmem>>) dst(%dma_wait3A_77 : memref<10000x128xf32, #tpu.memory_space<vmem_shared>>)
      tpu.yield
    }) : () -> ()
    %barrier3A_59 = arith.constant 0 : index
    tpu.barrier barrier_id(%barrier3A_59)
    %lt3A_60 = arith.constant 10 : i32
    %lt3A_61 = arith.cmpi slt, %arg1, %lt3A_60 : i32
    %convert_element_type3A_62 = arith.extui %lt3A_61 : i1 to i32
    %cond3A_63 = arith.constant 0 : i32
    %cond3A_64 = arith.cmpi ne, %convert_element_type3A_62, %cond3A_63 : i32
    scf.if %cond3A_64 {
      %mul3A_65 = arith.constant 1000 : i32
      %mul3A_66 = arith.muli %arg1, %mul3A_65 : i32
      "tpu.region"() ({
        %run_scoped3A_67 = tpu.sem_alloc : memref<!tpu.dma_semaphore, #tpu.memory_space<semaphore_mem>>
        %dma_start3A_68 = arith.constant 0 : i32
        %dma_start3A_69 = tpu.memref_slice %arg5[%arg0, %mul3A_66, %dma_start3A_68] : memref<2x10000x128xf32, #tpu.memory_space<hbm>> -> memref<1x1000x128xf32, #tpu.memory_space<hbm>>
        %dma_start3A_70 = tpu.memref_squeeze %dma_start3A_69 : memref<1x1000x128xf32, #tpu.memory_space<hbm>> -> memref<1000x128xf32, #tpu.memory_space<hbm>>
        %dma_start3A_71 = arith.constant 0 : i32
        %dma_start3A_72 = tpu.memref_slice %arg10[%mul3A_66, %dma_start3A_71] : memref<10000x128xf32, #tpu.memory_space<vmem_shared>> -> memref<1000x128xf32, #tpu.memory_space<vmem_shared>>
        tpu.enqueue_dma source(%dma_start3A_72 : memref<1000x128xf32, #tpu.memory_space<vmem_shared>>) target(%dma_start3A_70 : memref<1000x128xf32, #tpu.memory_space<hbm>>) target_semaphore(%run_scoped3A_67 : memref<!tpu.dma_semaphore, #tpu.memory_space<semaphore_mem>>)
        %dma_wait3A_73 = arith.constant 0 : i32
        %dma_wait3A_74 = tpu.memref_slice %arg5[%arg0, %mul3A_66, %dma_wait3A_73] : memref<2x10000x128xf32, #tpu.memory_space<hbm>> -> memref<1x1000x128xf32, #tpu.memory_space<hbm>>
        %dma_wait3A_75 = tpu.memref_squeeze %dma_wait3A_74 : memref<1x1000x128xf32, #tpu.memory_space<hbm>> -> memref<1000x128xf32, #tpu.memory_space<hbm>>
        %dma_wait3A_76 = arith.constant 0 : i32
        %dma_wait3A_77 = tpu.memref_slice %arg10[%mul3A_66, %dma_wait3A_76] : memref<10000x128xf32, #tpu.memory_space<vmem_shared>> -> memref<1000x128xf32, #tpu.memory_space<vmem_shared>>
        tpu.wait_dma2 semaphore(%run_scoped3A_67 : memref<!tpu.dma_semaphore, #tpu.memory_space<semaphore_mem>>) src(%dma_wait3A_77 : memref<1000x128xf32, #tpu.memory_space<vmem_shared>>) dst(%dma_wait3A_75 : memref<1000x128xf32, #tpu.memory_space<hbm>>)
        tpu.yield
      }) : () -> ()
    } else {
    }
    return
  }
}

module attributes {stable_mosaic.version = 14 : i64} {
  func.func @body(%arg0: i32, %arg1: memref<2x1000x128xf32, #tpu.memory_space<vmem>>, %arg2: memref<1000x128xf32, #tpu.memory_space<vmem>>) attributes {dimension_semantics = [#tpu.dimension_semantics<arbitrary>], iteration_bounds = array<i64: 10>, scalar_prefetch = 0 : i64, scratch_operands = 0 : i64, tpu.core_type = #tpu.core_type<tc>, window_params = [{transform_indices = @transform_0, window_bounds = array<i64: 2, 1000, 128>}, {transform_indices = @transform_1, window_bounds = array<i64: 1000, 128>}]} {
    %get3A = arith.constant 0 : index
    %get3A_0 = arith.constant 0 : index
    %get3A_1 = arith.constant 0 : index
    %get3A_2 = vector.load %arg1[%get3A, %get3A_0, %get3A_1] : memref<2x1000x128xf32, #tpu.memory_space<vmem>>, vector<1x1000x128xf32>
    %get3A_3 = vector.shape_cast %get3A_2 : vector<1x1000x128xf32> to vector<1000x128xf32>
    %get3A_4 = arith.constant 1 : index
    %get3A_5 = arith.constant 0 : index
    %get3A_6 = arith.constant 0 : index
    %get3A_7 = vector.load %arg1[%get3A_4, %get3A_5, %get3A_6] : memref<2x1000x128xf32, #tpu.memory_space<vmem>>, vector<1x1000x128xf32>
    %get3A_8 = vector.shape_cast %get3A_7 : vector<1x1000x128xf32> to vector<1000x128xf32>
    %add3A = arith.addf %get3A_3, %get3A_8 : vector<1000x128xf32>
    %swap3A = arith.constant 0 : index
    %swap3A_9 = arith.constant 0 : index
    %swap3A_10 = vector.load %arg2[%swap3A, %swap3A_9] : memref<1000x128xf32, #tpu.memory_space<vmem>>, vector<1000x128xf32>
    tpu.vector_store %arg2[%swap3A, %swap3A_9], %add3A {strides = array<i32>} : memref<1000x128xf32, #tpu.memory_space<vmem>>, vector<1000x128xf32>,
    return
  }
  func.func @transform_0(%arg0: i32) -> (i32, i32, i32) {
    %c0_i32 = arith.constant 0 : i32
    %c0_i32_0 = arith.constant 0 : i32
    %c0_i32_1 = arith.constant 0 : i32
    return %c0_i32, %arg0, %c0_i32_0 : i32, i32, i32
  }
  func.func @transform_1(%arg0: i32) -> (i32, i32) {
    %c0_i32 = arith.constant 0 : i32
    %c0_i32_0 = arith.constant 0 : i32
    return %arg0, %c0_i32 : i32, i32
  }
}

</mosaic_0001>

<sc_bundles>
// kernel: kernel.4.cloned.1.call-start
scs
__scs_entry_jumppad:
0x0: {  	(pc) =	sbr.rel $0x88, $3  }
0x1: {  	(tag) =	ssettag $0x0;
	lr =	simm.s32 $0x1  }
0x2: {  	[smem:$0x3F9F] =	sst lr;
	_ =	strace $0xD0000000  }
0x3: {  	_ = 	snop  }
0x4: {  	_ = 	snop  }
0x5: {  	_ = 	snop  }
0x6: {  	_ = 	snop  }
0x7: {  	_ = 	snop  }
__scs_overlays_trampoline_lowered:
0x8: {  	[smem:$0x3FAE] =	sst s0  }
0x9: {  	[smem:$0x3FAF] =	sst s1  }
0xa: {  	[smem:$0x3FB0] =	sst s2  }
0xb: {  	[smem:$0x3FB1] =	sst s3  }
0xc: {  	[smem:$0x3FB2] =	sst s4  }
0xd: {  	[smem:$0x3FB3] =	sst s5  }
0xe: {  	[smem:$0x3FB4] =	sst s6  }
0xf: {  	[smem:$0x3FB5] =	sst s7  }
0x10: {  	[smem:$0x3FB6] =	sst s8  }
0x11: {  	[smem:$0x3FB7] =	sst s9;
	s0 =	simm.s32 @!p0 $0x0  }
0x12: {  	s1 =	sld [smem:$0x3F9D];
	s0 =	simm.s32 @p0 $0x1  }
0x13: {  	[smem:$0x3FB8] =	sst s0;
	s0 =	simm.s32 @!p1 $0x0  }
0x14: {  	s2 =	sld [smem:$0x3F9C];
	s0 =	simm.s32 @p1 $0x1  }
0x15: {  	[smem:$0x3FB9] =	sst s0;
	s0 =	simm.s32 @!p2 $0x0  }
0x16: {  	s3 =	sld [smem:$0x3FDB];
	s0 =	simm.s32 @p2 $0x1  }
0x17: {  	s4 =	simm.s32 $0x1BF5;
	[smem:$0x3FBB] =	sst s0  }
0x18: {  	s0 =	sld [smem:$0x3F9E];
	_ =	swait.ge [sflag:s4], $0x0  }
0x19: {  	s7 =	sld [smem:$0x3F9F]  }
0x1a: {  	s8 =	sadd.s32 $0xFFFFE003, lr  }
0x1b: {  	s9 =	sadd.s32 $0xFFFFFEF7, lr;
	s5 =	simm.s32 $0xFFFFFFFF;
	p2 =	slt.u32 s8, $0xFFFFF086  }
0x1c: {  	p1 =	slt.u32 s9, $0xF7A;
	s5 =	simm.s32 @!p2 $0x0  }
0x1d: {  	s5 =	simm.s32 @p1 $0x1;
	p0 =	seq.s32 s7, s2  }
0x1e: {  	s7 =	smul.u32 @!p0 $0xF7A, s2;
	p2 =	seq.s32 @!p0 s5, $0x0  }
0x1f: {  	s9 =	smul.u32 $0xF7A, s1;
	s8 =	simm.s32 @!p0 $0x1BF5;
	p2 =	por !p2, p0  }
0x20: {  	[sflag:s8] =	ssyncset.s32 @!p0 $0xFFFFF086;
	s6 =	sadd.s32 @!p0 s3, s7;
	s7 =	simm.s32 @!p0 $0x108  }
0x21: {  	s3 =	sadd.s32 s3, s9;
	s6 =	sadd.s32 @!p0 $0x88, s6;
	s7 =	simm.s32 @p2 $0x1082  }
0x22: {  	[simem:s7], [sflag:s8] =	dma.local @!p0 [hbm:s6], $0xF7A  }
0x23: {  	s9 =	sor.u32 $0xD0000000, s2;
	s6 =	simm.s32 $0x108;
	_ =	swait.ge @!p0 [sflag:s8], $0x0  }
0x24: {  	s3 =	sadd.s32 $0x88, s3;
	s6 =	simm.s32 @!p1 $0x1082;
	[sflag:s4] =	ssyncset.s32 $0xFFFFF086  }
0x25: {  	[simem:s6], [sflag:s4] =	dma.local [hbm:s3], $0xF7A  }
0x26: {  	[smem:$0x3F9F] =	sst s1;
	(tag) =	ssettag s2;
	_ =	strace s9  }
0x27: {  	s1 =	sld [smem:$0x3FAF]  }
0x28: {  	s2 =	sld [smem:$0x3FB0]  }
0x29: {  	s4 =	sld [smem:$0x3FB2]  }
0x2a: {  	p0 =	seq.s32 s5, $0x0;
	s5 =	sld [smem:$0x3FB3]  }
0x2b: {  	s6 =	sld [smem:$0x3FB4]  }
0x2c: {  	s7 =	sld [smem:$0x3FB5]  }
0x2d: {  	s3 =	simm.s32 $0x108;
	s8 =	sld [smem:$0x3FB6]  }
0x2e: {  	s3 =	simm.s32 @!p0 $0x1082;
	s9 =	sld [smem:$0x3FB7]  }
0x2f: {  	lr =	sadd.s32 s0, s3;
	s0 =	sld [smem:$0x3FAE]  }
0x30: {  	s3 =	sld [smem:$0x3FB1]  }
0x31: {  	[smem:$0x3FBA] =	sst s10  }
0x32: {  	s10 =	sld [smem:$0x3FB8];
	_ =	sdelay $0x3  }
0x33: {  	p0 =	seq.s32 s10, $0x1;
	s10 =	sld [smem:$0x3FBA];
	_ =	sdelay $0x3  }
0x34: {  	[smem:$0x3FBA] =	sst s10  }
0x35: {  	s10 =	sld [smem:$0x3FB9];
	_ =	sdelay $0x3  }
0x36: {  	p1 =	seq.s32 s10, $0x1;
	s10 =	sld [smem:$0x3FBA];
	_ =	sdelay $0x3  }
0x37: {  	[smem:$0x3FBA] =	sst s10  }
0x38: {  	s10 =	sld [smem:$0x3FBB]  }
0x39: {  	_ = 	snop;
	(pc) =	sbr.ind lr, $3  }
0x3a: {  	_ = 	snop  }
0x3b: {  	_ = 	snop  }
0x3c: {  	p2 =	seq.s32 s10, $0x1;
	s10 =	sld [smem:$0x3FBA]  }
0x3d: {  	_ =	shalt  }
0x3e: {  	_ =	shalt  }
0x3f: {  	_ =	shalt  }
0x40: {  	_ =	shalt  }
0x41: {  	_ =	shalt  }
0x42: {  	_ =	shalt  }
0x43: {  	_ =	shalt  }
0x44: {  	_ =	shalt  }
0x45: {  	_ =	shalt  }
0x46: {  	_ =	shalt  }
0x47: {  	_ =	shalt  }
0x48: {  	_ =	shalt  }
0x49: {  	_ =	shalt  }
0x4a: {  	_ =	shalt  }
0x4b: {  	_ =	shalt  }
0x4c: {  	_ =	shalt  }
0x4d: {  	_ =	shalt  }
0x4e: {  	_ =	shalt  }
0x4f: {  	_ =	shalt  }
0x50: {  	_ =	shalt  }
0x51: {  	_ =	shalt  }
0x52: {  	_ =	shalt  }
0x53: {  	_ =	shalt  }
0x54: {  	_ =	shalt  }
0x55: {  	_ =	shalt  }
0x56: {  	_ =	shalt  }
0x57: {  	_ =	shalt  }
0x58: {  	_ =	shalt  }
0x59: {  	_ =	shalt  }
0x5a: {  	_ =	shalt  }
0x5b: {  	_ =	shalt  }
0x5c: {  	_ =	shalt  }
0x5d: {  	_ =	shalt  }
0x5e: {  	_ =	shalt  }
0x5f: {  	_ =	shalt  }
0x60: {  	_ =	shalt  }
0x61: {  	_ =	shalt  }
0x62: {  	_ =	shalt  }
0x63: {  	_ =	shalt  }
0x64: {  	_ =	shalt  }
0x65: {  	_ =	shalt  }
0x66: {  	_ =	shalt  }
0x67: {  	_ =	shalt  }
0x68: {  	_ =	shalt  }
0x69: {  	_ =	shalt  }
0x6a: {  	_ =	shalt  }
0x6b: {  	_ =	shalt  }
0x6c: {  	_ =	shalt  }
0x6d: {  	_ =	shalt  }
0x6e: {  	_ =	shalt  }
0x6f: {  	_ =	shalt  }
0x70: {  	_ =	shalt  }
0x71: {  	_ =	shalt  }
0x72: {  	_ =	shalt  }
0x73: {  	_ =	shalt  }
0x74: {  	_ =	shalt  }
0x75: {  	_ =	shalt  }
0x76: {  	_ =	shalt  }
0x77: {  	_ =	shalt  }
0x78: {  	_ =	shalt  }
0x79: {  	_ =	shalt  }
0x7a: {  	_ =	shalt  }
0x7b: {  	_ =	shalt  }
0x7c: {  	_ =	shalt  }
0x7d: {  	_ =	shalt  }
0x7e: {  	_ =	shalt  }
0x7f: {  	_ =	shalt  }
0x80: {  	_ =	shalt  }
0x81: {  	_ =	shalt  }
0x82: {  	_ =	shalt  }
0x83: {  	_ =	shalt  }
0x84: {  	_ =	shalt  }
0x85: {  	_ =	shalt  }
0x86: {  	_ =	shalt  }
0x87: {  	_ =	shalt  }
.Lfunc_end0:
.L_simem_size_0:
called_computation_lowered:
.L_overlay_start_0:
0x88: {  	s2 =	sld [smem:$0x3FD9]  }
0x89: {  	s3 =	sld [smem:$0x3FFE];
	_ =	sdelay $0x1  }
0x8a: {  	s1 =	srdreg.scid  }
0x8b: {  	s0 =	sand.u32 $0x1, s1  }
0x8c: {  	s17 =	sshll.u32 s0, $0xA;
	s2 =	sadd.s32 s3, s2  }
0x8d: {  	s2 =	sadd.s32 s2, s17  }
0x8e: {  	[smem:$0x3FC6] =	sst s2  }
0x8f: {  	_ = 	snop  }
0x90: {  	s2 =	sld [smem:$0x3FC9]  }
0x91: {  	s18 =	sld [smem:$0x3FD0];
	(tm) =	ssettm $0x1  }
0x92: {  	s4 =	sld [smem:$0x3FFB];
	_ =	sdelay $0x3  }
0x93: {  	_ =	strace s4  }
0x94: {  	s4 =	sld [smem:$0x3FFC];
	_ =	sdelay $0x3  }
0x95: {  	_ =	strace s4  }
0x96: {  	s4 =	sld [smem:$0x3FFD];
	_ =	sdelay $0x3  }
0x97: {  	_ =	strace s4  }
0x98: {  	_ =	strace $0x8FFFFFFF  }
0x99: {  	s19 =	sld [smem:$0x3FDB];
	_ =	sdelay $0x1  }
0x9a: {  	s5 =	simm.s32 $_scs_section_size  }
0x9b: {  	s6 =	simm.s32 $_size__tile_overlayer_lowered;
	s7 =	simm.s32 $_tile_overlayer_lowered  }
0x9c: {  	s22 =	simm.s32 $0x1BFF;
	s21 =	sshll.u32 s7, $0x1;
	s4 =	sadd.s32 s5, s19  }
0x9d: {  	s8 =	simm.s32 $0x0;
	s20 =	sshll.u32 s6, $0x1;
	s6 =	sadd.s32 s21, s4  }
0x9e: {  	[timem:s8], [sflag:s22] =	dma.local [hbm:s6], s20  }
0x9f: {  	_ =	swait.ge [sflag:s22], s20  }
0xa0: {  	s5 =	ssub.s32 $0x0, s20;
	[sflag:s22] =	ssyncset.done $0x0  }
0xa1: {  	[sflag:s22] =	ssyncadd.s32 s5;
	_ =	sdelay $0x1  }
0xa2: {  	s23 =	simm.s32 $0x1B8B  }
0xa3: {  	_ =	swait.ge [sflag:s23], $0x1  }
0xa4: {  	[sflag:s23] =	ssyncset.done $0x0  }
0xa5: {  	s25 =	simm.s32 $0x1B8E;
	s24 =	sld [smem:$0x3FFE];
	[sflag:s23] =	ssyncadd.s32 $0xFFFFFFFF  }
0xa6: {  	s26 =	simm.s32 $execute0_lowered;
	[smem:$0x3FD2] =	sst s25  }
0xa7: {  	s6 =	sshll.u32 s26, $0x1;
	_ =	strace $0x80000046;
	[dreg:$0x1] =	wrdreg $0xFFFFFFFF  }
0xa8: {  	s28 =	simm.s32 $_size_execute0_lowered;
	s4 =	sadd.s32 s4, s6;
	[dreg:$0x0] =	wrdreg $0x0  }
0xa9: {  	s6 =	sshll.u32 s28, $0x1;
	[dreg:$0x2] =	wrdreg s4  }
0xaa: {  	[dreg:$0x3] =	wrdreg s6  }
0xab: {  	[dreg:$0x4] =	wrdreg $0xC0  }
0xac: {  	_ =	task [dreg:s8], $0x5FFFF  }
0xad: {  	[dreg:$0x1] =	wrdreg $0xFFFFFFFF  }
0xae: {  	[dreg:$0x0] =	wrdreg $0x60  }
0xaf: {  	[dreg:$0x2] =	wrdreg s2  }
0xb0: {  	[dreg:$0x3] =	wrdreg s18  }
0xb1: {  	[dreg:$0x4] =	wrdreg s24  }
0xb2: {  	[dreg:$0x5] =	wrdreg $0xB8000  }
0xb3: {  	[dreg:$0x6] =	wrdreg $0x9  }
0xb4: {  	_ =	task.clear_ibuf [dreg:s8], $0x7FFFF;
	_ =	strace $0x90000046  }
0xb5: {  	s29 =	simm.s32 $0x9;
	_ =	strace $0x80000048  }
0xb6: {  	_ =	swait.ge [sflag:s29], $0x1  }
0xb7: {  	[sflag:s29] =	ssyncadd.s32 $0xFFFFFFFF  }
0xb8: {  	_ =	strace $0x90000048  }
0xb9: {  	_ =	sfence  }
0xba: {  	s30 =	sld [smem:$0x0];
	_ =	sdelay $0x2  }
0xbb: {  	s31 =	sshll.u32 s1, $0xD;
	s1 =	sshrl.u32 s1, $0x2  }
0xbc: {  	s3 =	sand.u32 $0x4000, s31;
	s1 =	sadd.s32 s1, s30  }
0xbd: {  	s0 =	sor.u32 s3, s0;
	s1 =	sshll.u32 s1, $0x11  }
0xbe: {  	s0 =	sor.u32 s1, s0  }
0xbf: {  	s0 =	sadd.s32 $0x8F2B, s0  }
0xc0: {  	[sflag:s0] =	ssyncadd.remote.s32 $0x1  }
0xc1: {  	_ =	sfence.sel $0xFFFF  }
0xc2: {  	[dreg:$0x0] =	wrdreg $0xFFFFFFFF;
	(pc) =	sbr.abs _section_cstart, $3  }
0xc3: {  	[dreg:$0x1] =	wrdreg $0xFFFFFFFF  }
0xc4: {  	_ =	task.clear_ibuf [dreg:s8], $0x2FFFF;
	_ =	strace $0x9FFFFFFF  }
0xc5: {  	(tm) =	ssettm $0x7FFFFFFF  }
tec
execute0_lowered:
.L_overlay_start_1:
0x0: {  	(tag) =	ssettag $0x1  }
0x1: {  	s10 =	rddreg [dreg:$0x0]  }
0x2: {  	s7 =	rddreg [dreg:$0x1]  }
0x3: {  	s5 =	rddreg [dreg:$0x2];
	s0 =	srdreg.scid  }
0x4: {  	s2 =	rddreg [dreg:$0x3];
	s1 =	stileid.u32;
	s3 =	simm.s32 $0x0  }
0x5: {  	s16 =	simm.s32 $0x9000;
	s17 =	simm.s32 $0x1;
	s18 =	simm.s32 $0x50  }
0x6: {  	s19 =	simm.s32 $0x6;
	s20 =	simm.s32 $0x2;
	s21 =	simm.s32 $0x3  }
0x7: {  	s22 =	simm.s32 $0x3D80;
	s23 =	simm.s32 $0x3E00;
	s6 =	smul.u32 $0x1F400, s1  }
0x8: {  	s8 =	sand.u32 $0x1, s0;
	s0 =	rddreg [dreg:$0x4];
	s14 =	smul.u32 $0x7D000, s1  }
0x9: {  	[smem:$0x7FF] =	sst s3;
	s31 =	smul.u32 $0x27100, s1;
	p0 =	sgt.u32 s1, $0x9  }
0xa: {  	s4 =	smul.u32 $0x138800, s8;
	s9 =	sshll.u32 s8, $0x4;
	_ =	strace $0x80000047  }
0xb: {  	s11 =	ssub.s32 $0x2, s8;
	s30 =	smul.u32 $0x271000, s8;
	s24 =	sor.u32 s1, s9  }
0xc: {  	s26 =	sshrl.u32 s11, $0x1;
	s29 =	sshrl.u32 s14, $0x2;
	s12 =	smul.u32 $0x138800, s24  }
0xd: {  	s4 =	sadd.s32 s6, s4;
	s11 =	ssub.s32 s11, s26;
	s28 =	smul.u32 $0x27100, s24  }
0xe: {  	s13 =	sshll.u32 s24, $0xB;
	s15 =	sadd.s32 s29, s2;
	s24 =	simm.s32 $0x0  }
0xf: {  	s25 =	sshrl.u32 s4, $0x3;
	s4 =	sadd.s32 $0x600, s5;
	s7 =	sadd.s32 s13, s7  }
0x10: {  	s13 =	simm.s32 $0x6800;
	s15 =	sshrl.u32 @!p0 s15, $0x3;
	s9 =	sadd.s32 s25, s5  }
0x11: {  	s12 =	sshrl.u32 s12, $0x3;
	s5 =	sadd.s32 s10, s28;
	s7 =	sadd.s32 $0x10000, s7  }
0x12: {  	s12 =	sadd.s32 s10, s12;
	s8 =	sadd.s32 $0x4600, s9;
	s9 =	smax.u32 s11, $0x1  }
0x13: {  	s10 =	sadd.s32 s30, s10;
	s6 =	sadd.s32 $0x500, s12;
	s12 =	sshll.u32 @!p0 s1, $0x6  }
0x14: {  	s11 =	simm.s32 $0x4000;
	s10 =	sadd.s32 s31, s10;
	s14 =	sor.u32 @!p0 $0x1C04, s12  }
.LBB2_1:
0x15: {  	[tilespmem:s11], [sflag:$0x1] =	stream.linear.gather [hbm4b:s5+s3], $0x2800, $0x38;
	[tilespmem:$0x1F080] =	vst v63  }
0x16: {  	_ = 	snop  }
0x17: {  	[tilespmem:s13], [sflag:$0x2] =	stream.linear.gather [hbm4b:s6+s3], $0x2800, $0x38;
	[tilespmem:$0x1F080] =	vst v63  }
0x18: {  	s25 =	simm.s32 @p0 $0x0  }
0x19: {  	[tilespmem:s25], [sflag:$0x5] =	stream.linear.gather @p0 [hbm4b:s7+s25], $0x3E80, $0x38;
	[tilespmem:$0x1F080] =	vst v63  }
0x1a: {  	s25 =	simm.s32 @!p0 $0x0  }
0x1b: {  	[spmem:s15], [sflag:s14] =	dma.local @!p0 [hbm:s4], $0x3E80  }
0x1c: {  	[tilespmem:s25], [sflag:$0x5] =	stream.linear.gather @!p0 [hbm4b:s7+s25], $0x3E80, $0x38;
	[tilespmem:$0x1F080] =	vst v63  }
0x1d: {  	s25 =	simm.s32 @!p0 $0x5  }
0x1e: {  	_ =	swait.ge @!p0 [sflag:s25], $0x3E80  }
0x1f: {  	s26 =	simm.s32 @!p0 $0x4;
	[sflag:s25] =	ssyncset.done @!p0 $0x0  }
0x20: {  	s26 =	simm.s32 @p0 $0x5;
	[sflag:s25] =	ssyncadd.s32 @!p0 $0xFFFFC180  }
0x21: {  	_ =	swait.ge [sflag:s26], $0x3E80  }
0x22: {  	[sflag:s26] =	ssyncset.done $0x0  }
0x23: {  	s25 =	sadd.s32 $0x0, s10;
	[sflag:s26] =	ssyncadd.s32 $0xFFFFC180  }
0x24: {  	s30 =	sadd.s32 $0xA00, s25;
	[bflag:$0x0] =	sbarrier.arrive $0xFFFF  }
0x25: {  	[tilespmem:s16], [sflag:$0x3] =	stream.linear.gather [hbm4b:s30+s3], $0x2800, $0x38;
	[tilespmem:$0x1F080] =	vst v63  }
0x26: {  	_ =	swait.ge [sflag:s17], $0x2800  }
0x27: {  	[sflag:s17] =	ssyncset.done $0x0  }
0x28: {  	s31 =	simm.s32 $0x0;
	[sflag:s17] =	ssyncadd.s32 $0xFFFFD800  }
0x29: {  	[spmem:s2] =	stream.indirect.scatter.add.f32 [tilespmem:s11], [sflag:$0x6], $0x80, s31, s18, $0xb8;
	[tilespmem:$0x1F080] =	vst v63  }
0x2a: {  	_ =	swait.ge [sflag:s19], $0x2800  }
0x2b: {  	[sflag:s19] =	ssyncset.done $0x0  }
0x2c: {  	s29 =	sadd.s32 $0xF00, s25;
	[sflag:s19] =	ssyncadd.s32 $0xFFFFD800  }
0x2d: {  	[tilespmem:s11], [sflag:$0x1] =	stream.linear.gather [hbm4b:s29+s3], $0x2800, $0x38;
	[tilespmem:$0x1F080] =	vst v63  }
0x2e: {  	_ =	swait.ge [sflag:s20], $0x2800  }
0x2f: {  	[sflag:s20] =	ssyncset.done $0x0  }
0x30: {  	s30 =	simm.s32 $0x80;
	[sflag:s20] =	ssyncadd.s32 $0xFFFFD800  }
0x31: {  	[spmem:s2] =	stream.indirect.scatter.add.f32 [tilespmem:s13], [sflag:$0x6], $0x80, s30, s18, $0xb8;
	[tilespmem:$0x1F080] =	vst v63  }
0x32: {  	_ =	swait.ge [sflag:s19], $0x2800  }
0x33: {  	[sflag:s19] =	ssyncset.done $0x0  }
0x34: {  	s25 =	sadd.s32 $0x1400, s25;
	[sflag:s19] =	ssyncadd.s32 $0xFFFFD800  }
0x35: {  	[tilespmem:s13], [sflag:$0x2] =	stream.linear.gather [hbm4b:s25+s3], $0x2800, $0x38;
	[tilespmem:$0x1F080] =	vst v63  }
0x36: {  	_ =	swait.ge [sflag:s21], $0x2800  }
0x37: {  	[sflag:s21] =	ssyncset.done $0x0  }
0x38: {  	s31 =	simm.s32 $0x100;
	[sflag:s21] =	ssyncadd.s32 $0xFFFFD800  }
0x39: {  	[spmem:s2] =	stream.indirect.scatter.add.f32 [tilespmem:s16], [sflag:$0x6], $0x80, s31, s18, $0xb8;
	[tilespmem:$0x1F080] =	vst v63  }
0x3a: {  	s28 =	simm.s32 $0x1E00;
	_ =	swait.ge [sflag:s19], $0x2800  }
0x3b: {  	s26 =	sadd.s32 $0xF00, s10;
	s25 =	simm.s32 $0x200;
	[sflag:s19] =	ssyncset.done $0x0  }
.LBB2_2:
0x3c: {  	s29 =	sadd.s32 $0xA00, s26  }
0x3d: {  	[sflag:s19] =	ssyncadd.s32 $0xFFFFD800;
	s30 =	smov.u32 s28;
	s31 =	sadd.s32 $0xF00, s28  }
0x3e: {  	[tilespmem:s16], [sflag:$0x3] =	stream.linear.gather [hbm4b:s29+s3], $0x2800, $0x38;
	[tilespmem:$0x1F080] =	vst v63  }
0x3f: {  	p1 =	sne.s32 s28, $0x25800;
	_ =	swait.ge [sflag:s17], $0x2800  }
0x40: {  	[sflag:s17] =	ssyncset.done $0x0  }
0x41: {  	s28 =	sadd.s32 $0xFFFFFF80, s25;
	[sflag:s17] =	ssyncadd.s32 $0xFFFFD800  }
0x42: {  	[spmem:s2] =	stream.indirect.scatter.add.f32 [tilespmem:s11], [sflag:$0x6], $0x80, s28, s18, $0xb8;
	[tilespmem:$0x1F080] =	vst v63  }
0x43: {  	_ =	swait.ge [sflag:s19], $0x2800  }
0x44: {  	[sflag:s19] =	ssyncset.done $0x0  }
0x45: {  	s28 =	sadd.s32 $0xF00, s26;
	[sflag:s19] =	ssyncadd.s32 $0xFFFFD800  }
0x46: {  	[tilespmem:s11], [sflag:$0x1] =	stream.linear.gather [hbm4b:s28+s3], $0x2800, $0x38;
	[tilespmem:$0x1F080] =	vst v63  }
0x47: {  	_ =	swait.ge [sflag:s20], $0x2800  }
0x48: {  	[sflag:s20] =	ssyncset.done $0x0  }
0x49: {  	[sflag:s20] =	ssyncadd.s32 $0xFFFFD800  }
0x4a: {  	[spmem:s2] =	stream.indirect.scatter.add.f32 [tilespmem:s13], [sflag:$0x6], $0x80, s25, s18, $0xb8;
	[tilespmem:$0x1F080] =	vst v63  }
0x4b: {  	_ =	swait.ge [sflag:s19], $0x2800  }
0x4c: {  	[sflag:s19] =	ssyncset.done $0x0  }
0x4d: {  	s26 =	sadd.s32 $0x1400, s26;
	[sflag:s19] =	ssyncadd.s32 $0xFFFFD800  }
0x4e: {  	[tilespmem:s13], [sflag:$0x2] =	stream.linear.gather [hbm4b:s26+s3], $0x2800, $0x38;
	[tilespmem:$0x1F080] =	vst v63  }
0x4f: {  	_ =	swait.ge [sflag:s21], $0x2800  }
.Ltmp0:
0x50: {  	[sflag:s21] =	ssyncset.done $0x0;
	(pc) =	sbr.rel @p1 .LBB2_2-.Ltmp0, $4  }
0x51: {  	s26 =	sadd.s32 $0x80, s25;
	[sflag:s21] =	ssyncadd.s32 $0xFFFFD800  }
0x52: {  	[spmem:s2] =	stream.indirect.scatter.add.f32 [tilespmem:s16], [sflag:$0x6], $0x80, s26, s18, $0xb8;
	[tilespmem:$0x1F080] =	vst v63  }
0x53: {  	s28 =	smov.u32 s31;
	_ =	swait.ge [sflag:s19], $0x2800  }
0x54: {  	s25 =	sadd.s32 $0x180, s25;
	s26 =	sadd.s32 s30, s10;
	[sflag:s19] =	ssyncset.done $0x0  }
0x55: {  	s28 =	sadd.s32 $0xA00, s26;
	[sflag:s19] =	ssyncadd.s32 $0xFFFFD800  }
0x56: {  	[tilespmem:s16], [sflag:$0x3] =	stream.linear.gather [hbm4b:s28+s3], $0x2800, $0x38;
	[tilespmem:$0x1F080] =	vst v63  }
0x57: {  	_ =	swait.ge [sflag:s17], $0x2800  }
0x58: {  	[sflag:s17] =	ssyncset.done $0x0  }
0x59: {  	s31 =	sadd.s32 $0xFFFFFF80, s25;
	[sflag:s17] =	ssyncadd.s32 $0xFFFFD800  }
0x5a: {  	[spmem:s2] =	stream.indirect.scatter.add.f32 [tilespmem:s11], [sflag:$0x6], $0x80, s31, s18, $0xb8;
	[tilespmem:$0x1F080] =	vst v63  }
0x5b: {  	_ =	swait.ge [sflag:s19], $0x2800  }
0x5c: {  	[sflag:s19] =	ssyncset.done $0x0  }
0x5d: {  	s29 =	sadd.s32 $0xF00, s26;
	[sflag:s19] =	ssyncadd.s32 $0xFFFFD800  }
0x5e: {  	[tilespmem:s11], [sflag:$0x1] =	stream.linear.gather [hbm4b:s29+s3], $0x2800, $0x38;
	[tilespmem:$0x1F080] =	vst v63  }
0x5f: {  	_ =	swait.ge [sflag:s20], $0x2800  }
0x60: {  	[sflag:s20] =	ssyncset.done $0x0  }
0x61: {  	[sflag:s20] =	ssyncadd.s32 $0xFFFFD800  }
0x62: {  	[spmem:s2] =	stream.indirect.scatter.add.f32 [tilespmem:s13], [sflag:$0x6], $0x80, s25, s18, $0xb8;
	[tilespmem:$0x1F080] =	vst v63  }
0x63: {  	_ =	swait.ge [sflag:s19], $0x2800  }
0x64: {  	[sflag:s19] =	ssyncset.done $0x0  }
0x65: {  	s30 =	sadd.s32 $0x1400, s26;
	[sflag:s19] =	ssyncadd.s32 $0xFFFFD800  }
0x66: {  	[tilespmem:s13], [sflag:$0x2] =	stream.linear.gather [hbm4b:s30+s3], $0x2800, $0x38;
	[tilespmem:$0x1F080] =	vst v63  }
0x67: {  	_ =	swait.ge [sflag:s21], $0x2800  }
0x68: {  	[sflag:s21] =	ssyncset.done $0x0  }
0x69: {  	s31 =	sadd.s32 $0x80, s25;
	[sflag:s21] =	ssyncadd.s32 $0xFFFFD800  }
0x6a: {  	[spmem:s2] =	stream.indirect.scatter.add.f32 [tilespmem:s16], [sflag:$0x6], $0x80, s31, s18, $0xb8;
	[tilespmem:$0x1F080] =	vst v63  }
0x6b: {  	_ =	swait.ge [sflag:s19], $0x2800  }
0x6c: {  	[sflag:s19] =	ssyncset.done $0x0  }
0x6d: {  	[sflag:s19] =	ssyncadd.s32 $0xFFFFD800  }
0x6e: {  	_ =	swait.ge [sflag:s17], $0x2800  }
0x6f: {  	[sflag:s17] =	ssyncset.done $0x0  }
0x70: {  	[sflag:s17] =	ssyncadd.s32 $0xFFFFD800  }
0x71: {  	[spmem:s2] =	stream.indirect.scatter.add.f32 [tilespmem:s11], [sflag:$0x6], $0x80, s22, s18, $0xb8;
	[tilespmem:$0x1F080] =	vst v63  }
0x72: {  	_ =	swait.ge [sflag:s19], $0x2800  }
0x73: {  	[sflag:s19] =	ssyncset.done $0x0  }
0x74: {  	[sflag:s19] =	ssyncadd.s32 $0xFFFFD800  }
0x75: {  	_ =	swait.ge [sflag:s20], $0x2800  }
0x76: {  	[sflag:s20] =	ssyncset.done $0x0  }
0x77: {  	[sflag:s20] =	ssyncadd.s32 $0xFFFFD800  }
0x78: {  	[spmem:s2] =	stream.indirect.scatter.add.f32 [tilespmem:s13], [sflag:$0x6], $0x80, s23, s18, $0xb8;
	[tilespmem:$0x1F080] =	vst v63  }
0x79: {  	_ =	swait.ge [sflag:s19], $0x2800  }
0x7a: {  	[sflag:s19] =	ssyncset.done $0x0  }
0x7b: {  	s24 =	sadd.s32 $0x1, s24;
	[sflag:s19] =	ssyncadd.s32 $0xFFFFD800  }
0x7c: {  	p1 =	sne.s32 s24, s9;
	s25 =	sor.u32 @!p0 $0x1C06, s12;
	[bflag:$0x0] =	sbarrier.arrive $0xFFFF  }
0x7d: {  	[hbm:s8], [sflag:s25] =	dma.local @!p0 [spmem:s15], $0x3E80  }
.Ltmp1:
0x7e: {  	_ = 	snop;
	(pc) =	sbr.rel @p1 .LBB2_1-.Ltmp1, $4  }
0x7f: {  	s25 =	simm.s32 @!p0 $0x6  }
0x80: {  	_ =	swait.ge @!p0 [sflag:s25], $0x3E80  }
0x81: {  	[sflag:s25] =	ssyncset.done @!p0 $0x0  }
0x82: {  	[sflag:s25] =	ssyncadd.s32 @!p0 $0xFFFFC180  }
0x83: {  	_ =	sfence.sel $0x180000  }
0x84: {  	[bflag:$0x0] =	sbarrier.arrive $0xFFFF  }
0x85: {  	p0 =	sne.s32 s1, $0x0;
	_ =	strace $0x90000047  }
0x86: {  	s0 =	sadd.s32 @!p0 $0x100000, s0;
	[bflag:$0x2] =	sbarrier.arrive $0xFFFF  }
0x87: {  	[sflag:s0] =	ssyncadd.tile.s32 @!p0 $0x1;
	_ =	shalt  }
.Lfunc_end2:
_tile_overlayer_lowered:
.L_overlay_start_2:
0x88: {  	(tag) =	ssettag $0x2  }
0x89: {  	s0 =	rddreg [dreg:$0x0];
	s2 =	stileid.u32  }
0x8a: {  	s1 =	rddreg [dreg:$0x1];
	p0 =	sne.s32 s2, $0x0  }
0x8b: {  	s3 =	rddreg [dreg:$0x2];
	[bflag:$0x3] =	sbarrier.arrive $0xFFFF;
	s2 =	simm.s32 @!p0 $0x1C06  }
0x8c: {  	[timem:s3], [sflag:s2] =	dma.local @!p0 [hbm:s0], s1  }
0x8d: {  	s0 =	simm.s32 @!p0 $0x6  }
0x8e: {  	_ =	swait.ge @!p0 [sflag:s0], s1  }
0x8f: {  	s1 =	ssub.s32 @!p0 $0x0, s1;
	[sflag:s0] =	ssyncset.done @!p0 $0x0  }
0x90: {  	[sflag:s0] =	ssyncadd.s32 @!p0 s1  }
0x91: {  	[bflag:$0x3] =	sbarrier.arrive $0xFFFF  }
0x92: {  	_ =	shalt  }

</sc_bundles>
